<compile_context>
chip_gen: v7x
topology: tpu7x:2x2x1
jax: 0.10.2.dev20260603
libtpu: 0.0.44.dev20260713+nightly
codegen_flags: <defaults>
</compile_context>

<pallas_src>
import jax
import jax.numpy as jnp
from jax import lax
from jax.experimental import pallas as pl
from jax.experimental.pallas import tpu as pltpu
from jax.experimental.pallas import tpu_sc as plsc


def _body(x_hbm, cls_hbm, enc_hbm, x_v, enc_v, sem_in, sem_enc):
    in_cp = pltpu.make_async_copy(x_hbm.at[0, 0], x_v.at[pl.ds(0, 3)], sem_in)
    in_cp.start()
    enc_v[...] = jnp.full((16,), 1.0, jnp.float32)
    enc_cp = pltpu.make_async_copy(enc_v.at[pl.ds(0, 7)], enc_hbm.at[0, 0], sem_enc)
    enc_cp.start()
    in_cp.wait()
    v = x_v[...]
    a = v[0]
    b = v[1]
    d = v[2]
    is0 = jnp.logical_and(a >= b, a >= d)
    is1 = jnp.logical_and(jnp.logical_not(is0), b >= d)
    idx = jnp.where(is0, jnp.int32(0), jnp.where(is1, jnp.int32(1), jnp.int32(2)))
    lane = lax.iota(jnp.int32, 16)
    out = jnp.where(lane == idx, jnp.float32(1.0), jnp.float32(0.1))
    x_v[...] = out
    pltpu.sync_copy(x_v.at[pl.ds(0, 3)], cls_hbm.at[0])
    enc_cp.wait()


@jax.jit
def kernel(x):
    return pl.kernel(
        _body,
        out_type=(
            jax.ShapeDtypeStruct((1, 3), jnp.float32),
            jax.ShapeDtypeStruct((1, 1, 7), jnp.float32),
        ),
        mesh=plsc.VectorSubcoreMesh(
            core_axis_name="c",
            subcore_axis_name="s",
            num_cores=1,
            num_subcores=1,
        ),
        scratch_types=[
            pltpu.VMEM((16,), jnp.float32),
            pltpu.VMEM((16,), jnp.float32),
            pltpu.SemaphoreType.DMA,
            pltpu.SemaphoreType.DMA,
        ],
    )(x)

# --- scband reference (transcript-rebuilt; emitter-appended) ---
"""Pipeline reference for scband-confusion-matrix-test-net-82214263980246 (READ-ONLY COPY).

The authoritative reference and input builder live on the scoring server;
editing this copy changes nothing except your own understanding.
"""

import jax, jax.numpy as jnp
import numpy as np

def setup_inputs(seed: int = 0) -> dict:
    key = jax.random.key(seed)
    x = jax.random.normal(key, (1, 1, 3), dtype=jnp.float32)
    return {"x": x}

def reference(x):
    # Faithful translation of ConfusionMatrixTestNet.forward
    squeezed = jnp.squeeze(jnp.squeeze(x, axis=0), axis=0)  # shape [3]
    m = jnp.argmax(squeezed)
    class_outputs = jnp.ones((1, 3), dtype=jnp.float32) * 0.1
    class_outputs = class_outputs.at[0, m].set(1.0)
    encodings = jnp.ones((1, 1, 7), dtype=jnp.float32)
    return (class_outputs, encodings)

if __name__ == "__main__":
    import jax
    _d = setup_inputs()
    print(jax.jit(kernel)(*tuple(_d.values())))

</pallas_src>

<mosaic_0001>
#map = affine_map<(d0, d1) -> (0, 0, 0)>
#map1 = affine_map<(d0, d1) -> (0, 0)>
module attributes {stable_mosaic.version = 14 : i64} {
  func.func @_body(%arg0: i32, %arg1: i32, %arg2: memref<1x1x3xf32, #tpu.memory_space<hbm>>, %arg3: memref<1x3xf32, #tpu.memory_space<hbm>>, %arg4: memref<1x1x7xf32, #tpu.memory_space<hbm>>, %arg5: memref<16xf32, #tpu.memory_space<vmem>>, %arg6: memref<16xf32, #tpu.memory_space<vmem>>, %arg7: memref<!tpu.dma_semaphore, #tpu.memory_space<semaphore_mem>>, %arg8: memref<!tpu.dma_semaphore, #tpu.memory_space<semaphore_mem>>) attributes {dimension_semantics = [#tpu.dimension_semantics<core_parallel>, #tpu.dimension_semantics<subcore_parallel>], iteration_bounds = array<i64: 1, 1>, scalar_prefetch = 0 : i64, scratch_operands = 4 : i64, tpu.core_type = #tpu.core_type<sc_vector_subcore>, window_params = [{transform_indices = #map}, {transform_indices = #map1}, {transform_indices = #map}]} {
    %dma_start3A = arith.constant 0 : i32
    %dma_start3A_0 = arith.constant 0 : i32
    %dma_start3A_1 = arith.constant 0 : i32
    %dma_start3A_2 = tpu.memref_slice %arg5[%dma_start3A_1] : memref<16xf32, #tpu.memory_space<vmem>> -> memref<3xf32, #tpu.memory_space<vmem>>
    %dma_start3A_3 = arith.constant 0 : i32
    %dma_start3A_4 = tpu.memref_slice %arg2[%dma_start3A, %dma_start3A_0, %dma_start3A_3] : memref<1x1x3xf32, #tpu.memory_space<hbm>> -> memref<1x1x3xf32, #tpu.memory_space<hbm>>
    %dma_start3A_5 = tpu.memref_squeeze %dma_start3A_4 : memref<1x1x3xf32, #tpu.memory_space<hbm>> -> memref<3xf32, #tpu.memory_space<hbm>>
    %dma_start3A_6 = arith.constant 0 : i32
    %dma_start3A_7 = tpu.memref_slice %arg5[%dma_start3A_6] : memref<16xf32, #tpu.memory_space<vmem>> -> memref<3xf32, #tpu.memory_space<vmem>>
    %dma_start3A_8 = arith.constant 0 : i32
    %dma_start3A_9 = tpu.memref_slice %arg2[%dma_start3A, %dma_start3A_0, %dma_start3A_8] : memref<1x1x3xf32, #tpu.memory_space<hbm>> -> memref<1x1x3xf32, #tpu.memory_space<hbm>>
    %dma_start3A_10 = tpu.memref_squeeze %dma_start3A_9 : memref<1x1x3xf32, #tpu.memory_space<hbm>> -> memref<3xf32, #tpu.memory_space<hbm>>
    tpu.enqueue_dma source(%dma_start3A_10 : memref<3xf32, #tpu.memory_space<hbm>>) target(%dma_start3A_7 : memref<3xf32, #tpu.memory_space<vmem>>) target_semaphore(%arg7 : memref<!tpu.dma_semaphore, #tpu.memory_space<semaphore_mem>>)
    %broadcast_in_dim3A = arith.constant 1.000000e+00 : f32
    %broadcast_in_dim3A_11 = vector.broadcast %broadcast_in_dim3A : f32 to vector<16xf32>
    %swap3A = arith.constant 0 : index
    %swap3A_12 = tpu.vector_load %arg6[%swap3A] {strides = array<i32>} : memref<16xf32, #tpu.memory_space<vmem>>, vector<16xf32>,
    %swap3A_13 = vector.shape_cast %swap3A_12 : vector<16xf32> to vector<16xf32>
    %swap3A_14 = vector.shape_cast %broadcast_in_dim3A_11 : vector<16xf32> to vector<16xf32>
    tpu.vector_store %arg6[%swap3A], %swap3A_14 {strides = array<i32>} : memref<16xf32, #tpu.memory_space<vmem>>, vector<16xf32>,
    %dma_start3A_15 = arith.constant 0 : i32
    %dma_start3A_16 = arith.constant 0 : i32
    %dma_start3A_17 = arith.constant 0 : i32
    %dma_start3A_18 = tpu.memref_slice %arg6[%dma_start3A_17] : memref<16xf32, #tpu.memory_space<vmem>> -> memref<7xf32, #tpu.memory_space<vmem>>
    %dma_start3A_19 = arith.constant 0 : i32
    %dma_start3A_20 = tpu.memref_slice %arg4[%dma_start3A_15, %dma_start3A_16, %dma_start3A_19] : memref<1x1x7xf32, #tpu.memory_space<hbm>> -> memref<1x1x7xf32, #tpu.memory_space<hbm>>
    %dma_start3A_21 = tpu.memref_squeeze %dma_start3A_20 : memref<1x1x7xf32, #tpu.memory_space<hbm>> -> memref<7xf32, #tpu.memory_space<hbm>>
    %dma_start3A_22 = arith.constant 0 : i32
    %dma_start3A_23 = tpu.memref_slice %arg4[%dma_start3A_15, %dma_start3A_16, %dma_start3A_22] : memref<1x1x7xf32, #tpu.memory_space<hbm>> -> memref<1x1x7xf32, #tpu.memory_space<hbm>>
    %dma_start3A_24 = tpu.memref_squeeze %dma_start3A_23 : memref<1x1x7xf32, #tpu.memory_space<hbm>> -> memref<7xf32, #tpu.memory_space<hbm>>
    %dma_start3A_25 = arith.constant 0 : i32
    %dma_start3A_26 = tpu.memref_slice %arg6[%dma_start3A_25] : memref<16xf32, #tpu.memory_space<vmem>> -> memref<7xf32, #tpu.memory_space<vmem>>
    tpu.enqueue_dma source(%dma_start3A_26 : memref<7xf32, #tpu.memory_space<vmem>>) target(%dma_start3A_24 : memref<7xf32, #tpu.memory_space<hbm>>) target_semaphore(%arg8 : memref<!tpu.dma_semaphore, #tpu.memory_space<semaphore_mem>>)
    %dma_wait3A = arith.constant 0 : i32
    %dma_wait3A_27 = arith.constant 0 : i32
    %dma_wait3A_28 = arith.constant 0 : i32
    %dma_wait3A_29 = tpu.memref_slice %arg5[%dma_wait3A_28] : memref<16xf32, #tpu.memory_space<vmem>> -> memref<3xf32, #tpu.memory_space<vmem>>
    %dma_wait3A_30 = arith.constant 0 : i32
    %dma_wait3A_31 = tpu.memref_slice %arg2[%dma_wait3A, %dma_wait3A_27, %dma_wait3A_30] : memref<1x1x3xf32, #tpu.memory_space<hbm>> -> memref<1x1x3xf32, #tpu.memory_space<hbm>>
    %dma_wait3A_32 = tpu.memref_squeeze %dma_wait3A_31 : memref<1x1x3xf32, #tpu.memory_space<hbm>> -> memref<3xf32, #tpu.memory_space<hbm>>
    %dma_wait3A_33 = arith.constant 0 : i32
    %dma_wait3A_34 = tpu.memref_slice %arg5[%dma_wait3A_33] : memref<16xf32, #tpu.memory_space<vmem>> -> memref<3xf32, #tpu.memory_space<vmem>>
    %dma_wait3A_35 = arith.constant 0 : i32
    %dma_wait3A_36 = tpu.memref_slice %arg2[%dma_wait3A, %dma_wait3A_27, %dma_wait3A_35] : memref<1x1x3xf32, #tpu.memory_space<hbm>> -> memref<1x1x3xf32, #tpu.memory_space<hbm>>
    %dma_wait3A_37 = tpu.memref_squeeze %dma_wait3A_36 : memref<1x1x3xf32, #tpu.memory_space<hbm>> -> memref<3xf32, #tpu.memory_space<hbm>>
    tpu.wait_dma2 semaphore(%arg7 : memref<!tpu.dma_semaphore, #tpu.memory_space<semaphore_mem>>) src(%dma_wait3A_37 : memref<3xf32, #tpu.memory_space<hbm>>) dst(%dma_wait3A_34 : memref<3xf32, #tpu.memory_space<vmem>>)
    %get3A = arith.constant 0 : index
    %get3A_38 = tpu.vector_load %arg5[%get3A] {strides = array<i32>} : memref<16xf32, #tpu.memory_space<vmem>>, vector<16xf32>,
    %get3A_39 = vector.shape_cast %get3A_38 : vector<16xf32> to vector<16xf32>
    %slice3A = vector.extract_strided_slice %get3A_39 {offsets = [0], sizes = [1], strides = [1]} : vector<16xf32> to vector<1xf32>
    %squeeze3A = vector.extract %slice3A[0] : f32 from vector<1xf32>
    %slice3A_40 = vector.extract_strided_slice %get3A_39 {offsets = [1], sizes = [1], strides = [1]} : vector<16xf32> to vector<1xf32>
    %squeeze3A_41 = vector.extract %slice3A_40[0] : f32 from vector<1xf32>
    %slice3A_42 = vector.extract_strided_slice %get3A_39 {offsets = [2], sizes = [1], strides = [1]} : vector<16xf32> to vector<1xf32>
    %squeeze3A_43 = vector.extract %slice3A_42[0] : f32 from vector<1xf32>
    %ge3A = arith.cmpf oge, %squeeze3A, %squeeze3A_41 : f32
    %ge3A_44 = arith.cmpf oge, %squeeze3A, %squeeze3A_43 : f32
    %and3A = arith.andi %ge3A, %ge3A_44 : i1
    %not3A = arith.constant true
    %not3A_45 = arith.xori %and3A, %not3A : i1
    %ge3A_46 = arith.cmpf oge, %squeeze3A_41, %squeeze3A_43 : f32
    %and3A_47 = arith.andi %not3A_45, %ge3A_46 : i1
    %jit3A = arith.constant 1 : i32
    %jit3A_48 = arith.constant 2 : i32
    %select_n3A = arith.select %and3A_47, %jit3A, %jit3A_48 : i32
    %jit3A_49 = arith.constant 0 : i32
    %select_n3A_50 = arith.select %and3A, %jit3A_49, %select_n3A : i32
    %iota3A = tpu.iota {dimensions = array<i32: 0>} : vector<16xi32>
    %eq3A = vector.broadcast %select_n3A_50 : i32 to vector<16xi32>
    %eq3A_51 = arith.cmpi eq, %iota3A, %eq3A : vector<16xi32>
    %jit3A_52 = arith.constant 1.000000e+00 : f32
    %jit3A_53 = arith.constant 1.000000e-01 : f32
    %broadcast_in_dim3A_54 = vector.broadcast %jit3A_52 : f32 to vector<16xf32>
    %broadcast_in_dim3A_55 = vector.broadcast %jit3A_53 : f32 to vector<16xf32>
    %select_n3A_56 = arith.select %eq3A_51, %broadcast_in_dim3A_54, %broadcast_in_dim3A_55 : vector<16xi1>, vector<16xf32>
    %swap3A_57 = arith.constant 0 : index
    %swap3A_58 = tpu.vector_load %arg5[%swap3A_57] {strides = array<i32>} : memref<16xf32, #tpu.memory_space<vmem>>, vector<16xf32>,
    %swap3A_59 = vector.shape_cast %swap3A_58 : vector<16xf32> to vector<16xf32>
    %swap3A_60 = vector.shape_cast %select_n3A_56 : vector<16xf32> to vector<16xf32>
    tpu.vector_store %arg5[%swap3A_57], %swap3A_60 {strides = array<i32>} : memref<16xf32, #tpu.memory_space<vmem>>, vector<16xf32>,
    %run_scoped3A = arith.constant 0 : i32
    "tpu.region"() ({
      %run_scoped3A_73 = tpu.sem_alloc : memref<!tpu.dma_semaphore, #tpu.memory_space<semaphore_mem>>
      %dma_start3A_74 = arith.constant 0 : i32
      %dma_start3A_75 = tpu.memref_slice %arg5[%dma_start3A_74] : memref<16xf32, #tpu.memory_space<vmem>> -> memref<3xf32, #tpu.memory_space<vmem>>
      %dma_start3A_76 = arith.constant 0 : i32
      %dma_start3A_77 = tpu.memref_slice %arg3[%run_scoped3A, %dma_start3A_76] : memref<1x3xf32, #tpu.memory_space<hbm>> -> memref<1x3xf32, #tpu.memory_space<hbm>>
      %dma_start3A_78 = tpu.memref_squeeze %dma_start3A_77 : memref<1x3xf32, #tpu.memory_space<hbm>> -> memref<3xf32, #tpu.memory_space<hbm>>
      %dma_start3A_79 = arith.constant 0 : i32
      %dma_start3A_80 = tpu.memref_slice %arg3[%run_scoped3A, %dma_start3A_79] : memref<1x3xf32, #tpu.memory_space<hbm>> -> memref<1x3xf32, #tpu.memory_space<hbm>>
      %dma_start3A_81 = tpu.memref_squeeze %dma_start3A_80 : memref<1x3xf32, #tpu.memory_space<hbm>> -> memref<3xf32, #tpu.memory_space<hbm>>
      %dma_start3A_82 = arith.constant 0 : i32
      %dma_start3A_83 = tpu.memref_slice %arg5[%dma_start3A_82] : memref<16xf32, #tpu.memory_space<vmem>> -> memref<3xf32, #tpu.memory_space<vmem>>
      tpu.enqueue_dma source(%dma_start3A_83 : memref<3xf32, #tpu.memory_space<vmem>>) target(%dma_start3A_81 : memref<3xf32, #tpu.memory_space<hbm>>) target_semaphore(%run_scoped3A_73 : memref<!tpu.dma_semaphore, #tpu.memory_space<semaphore_mem>>)
      %dma_wait3A_84 = arith.constant 0 : i32
      %dma_wait3A_85 = tpu.memref_slice %arg5[%dma_wait3A_84] : memref<16xf32, #tpu.memory_space<vmem>> -> memref<3xf32, #tpu.memory_space<vmem>>
      %dma_wait3A_86 = arith.constant 0 : i32
      %dma_wait3A_87 = tpu.memref_slice %arg3[%run_scoped3A, %dma_wait3A_86] : memref<1x3xf32, #tpu.memory_space<hbm>> -> memref<1x3xf32, #tpu.memory_space<hbm>>
      %dma_wait3A_88 = tpu.memref_squeeze %dma_wait3A_87 : memref<1x3xf32, #tpu.memory_space<hbm>> -> memref<3xf32, #tpu.memory_space<hbm>>
      %dma_wait3A_89 = arith.constant 0 : i32
      %dma_wait3A_90 = tpu.memref_slice %arg3[%run_scoped3A, %dma_wait3A_89] : memref<1x3xf32, #tpu.memory_space<hbm>> -> memref<1x3xf32, #tpu.memory_space<hbm>>
      %dma_wait3A_91 = tpu.memref_squeeze %dma_wait3A_90 : memref<1x3xf32, #tpu.memory_space<hbm>> -> memref<3xf32, #tpu.memory_space<hbm>>
      %dma_wait3A_92 = arith.constant 0 : i32
      %dma_wait3A_93 = tpu.memref_slice %arg5[%dma_wait3A_92] : memref<16xf32, #tpu.memory_space<vmem>> -> memref<3xf32, #tpu.memory_space<vmem>>
      tpu.wait_dma2 semaphore(%run_scoped3A_73 : memref<!tpu.dma_semaphore, #tpu.memory_space<semaphore_mem>>) src(%dma_wait3A_93 : memref<3xf32, #tpu.memory_space<vmem>>) dst(%dma_wait3A_91 : memref<3xf32, #tpu.memory_space<hbm>>)
      tpu.yield
    }) : () -> ()
    %dma_wait3A_61 = arith.constant 0 : i32
    %dma_wait3A_62 = arith.constant 0 : i32
    %dma_wait3A_63 = arith.constant 0 : i32
    %dma_wait3A_64 = tpu.memref_slice %arg6[%dma_wait3A_63] : memref<16xf32, #tpu.memory_space<vmem>> -> memref<7xf32, #tpu.memory_space<vmem>>
    %dma_wait3A_65 = arith.constant 0 : i32
    %dma_wait3A_66 = tpu.memref_slice %arg4[%dma_wait3A_61, %dma_wait3A_62, %dma_wait3A_65] : memref<1x1x7xf32, #tpu.memory_space<hbm>> -> memref<1x1x7xf32, #tpu.memory_space<hbm>>
    %dma_wait3A_67 = tpu.memref_squeeze %dma_wait3A_66 : memref<1x1x7xf32, #tpu.memory_space<hbm>> -> memref<7xf32, #tpu.memory_space<hbm>>
    %dma_wait3A_68 = arith.constant 0 : i32
    %dma_wait3A_69 = tpu.memref_slice %arg4[%dma_wait3A_61, %dma_wait3A_62, %dma_wait3A_68] : memref<1x1x7xf32, #tpu.memory_space<hbm>> -> memref<1x1x7xf32, #tpu.memory_space<hbm>>
    %dma_wait3A_70 = tpu.memref_squeeze %dma_wait3A_69 : memref<1x1x7xf32, #tpu.memory_space<hbm>> -> memref<7xf32, #tpu.memory_space<hbm>>
    %dma_wait3A_71 = arith.constant 0 : i32
    %dma_wait3A_72 = tpu.memref_slice %arg6[%dma_wait3A_71] : memref<16xf32, #tpu.memory_space<vmem>> -> memref<7xf32, #tpu.memory_space<vmem>>
    tpu.wait_dma2 semaphore(%arg8 : memref<!tpu.dma_semaphore, #tpu.memory_space<semaphore_mem>>) src(%dma_wait3A_72 : memref<7xf32, #tpu.memory_space<vmem>>) dst(%dma_wait3A_70 : memref<7xf32, #tpu.memory_space<hbm>>)
    return
  }
}

</mosaic_0001>

<sc_bundles>
// kernel: kernel.3.cloned.1.call-start
scs
__scs_entry_jumppad:
0x0: {  	(pc) =	sbr.rel $0x88, $3  }
0x1: {  	(tag) =	ssettag $0x0;
	lr =	simm.s32 $0x1  }
0x2: {  	[smem:$0x3FA0] =	sst lr;
	_ =	strace $0xD0000000  }
0x3: {  	_ = 	snop  }
0x4: {  	_ = 	snop  }
0x5: {  	_ = 	snop  }
0x6: {  	_ = 	snop  }
0x7: {  	_ = 	snop  }
__scs_overlays_trampoline_lowered:
0x8: {  	[smem:$0x3FAF] =	sst s0  }
0x9: {  	[smem:$0x3FB0] =	sst s1  }
0xa: {  	[smem:$0x3FB1] =	sst s2  }
0xb: {  	[smem:$0x3FB2] =	sst s3  }
0xc: {  	[smem:$0x3FB3] =	sst s4  }
0xd: {  	[smem:$0x3FB4] =	sst s5  }
0xe: {  	[smem:$0x3FB5] =	sst s6  }
0xf: {  	[smem:$0x3FB6] =	sst s7  }
0x10: {  	[smem:$0x3FB7] =	sst s8  }
0x11: {  	[smem:$0x3FB8] =	sst s9;
	s0 =	simm.s32 @!p0 $0x0  }
0x12: {  	s1 =	sld [smem:$0x3F9E];
	s0 =	simm.s32 @p0 $0x1  }
0x13: {  	[smem:$0x3FB9] =	sst s0;
	s0 =	simm.s32 @!p1 $0x0  }
0x14: {  	s2 =	sld [smem:$0x3F9D];
	s0 =	simm.s32 @p1 $0x1  }
0x15: {  	[smem:$0x3FBA] =	sst s0;
	s0 =	simm.s32 @!p2 $0x0  }
0x16: {  	s3 =	sld [smem:$0x3FDB];
	s0 =	simm.s32 @p2 $0x1  }
0x17: {  	s4 =	simm.s32 $0x1BF5;
	[smem:$0x3FBC] =	sst s0  }
0x18: {  	s0 =	sld [smem:$0x3F9F];
	_ =	swait.ge [sflag:s4], $0x0  }
0x19: {  	s7 =	sld [smem:$0x3FA0]  }
0x1a: {  	s8 =	sadd.s32 $0xFFFFE003, lr  }
0x1b: {  	s9 =	sadd.s32 $0xFFFFFEF7, lr;
	s5 =	simm.s32 $0xFFFFFFFF;
	p2 =	slt.u32 s8, $0xFFFFF086  }
0x1c: {  	p1 =	slt.u32 s9, $0xF7A;
	s5 =	simm.s32 @!p2 $0x0  }
0x1d: {  	s5 =	simm.s32 @p1 $0x1;
	p0 =	seq.s32 s7, s2  }
0x1e: {  	s7 =	smul.u32 @!p0 $0xF7A, s2;
	p2 =	seq.s32 @!p0 s5, $0x0  }
0x1f: {  	s9 =	smul.u32 $0xF7A, s1;
	s8 =	simm.s32 @!p0 $0x1BF5;
	p2 =	por !p2, p0  }
0x20: {  	[sflag:s8] =	ssyncset.s32 @!p0 $0xFFFFF086;
	s6 =	sadd.s32 @!p0 s3, s7;
	s7 =	simm.s32 @!p0 $0x108  }
0x21: {  	s3 =	sadd.s32 s3, s9;
	s6 =	sadd.s32 @!p0 $0x88, s6;
	s7 =	simm.s32 @p2 $0x1082  }
0x22: {  	[simem:s7], [sflag:s8] =	dma.local @!p0 [hbm:s6], $0xF7A  }
0x23: {  	s9 =	sor.u32 $0xD0000000, s2;
	s6 =	simm.s32 $0x108;
	_ =	swait.ge @!p0 [sflag:s8], $0x0  }
0x24: {  	s3 =	sadd.s32 $0x88, s3;
	s6 =	simm.s32 @!p1 $0x1082;
	[sflag:s4] =	ssyncset.s32 $0xFFFFF086  }
0x25: {  	[simem:s6], [sflag:s4] =	dma.local [hbm:s3], $0xF7A  }
0x26: {  	[smem:$0x3FA0] =	sst s1;
	(tag) =	ssettag s2;
	_ =	strace s9  }
0x27: {  	s1 =	sld [smem:$0x3FB0]  }
0x28: {  	s2 =	sld [smem:$0x3FB1]  }
0x29: {  	s4 =	sld [smem:$0x3FB3]  }
0x2a: {  	p0 =	seq.s32 s5, $0x0;
	s5 =	sld [smem:$0x3FB4]  }
0x2b: {  	s6 =	sld [smem:$0x3FB5]  }
0x2c: {  	s7 =	sld [smem:$0x3FB6]  }
0x2d: {  	s3 =	simm.s32 $0x108;
	s8 =	sld [smem:$0x3FB7]  }
0x2e: {  	s3 =	simm.s32 @!p0 $0x1082;
	s9 =	sld [smem:$0x3FB8]  }
0x2f: {  	lr =	sadd.s32 s0, s3;
	s0 =	sld [smem:$0x3FAF]  }
0x30: {  	s3 =	sld [smem:$0x3FB2]  }
0x31: {  	[smem:$0x3FBB] =	sst s10  }
0x32: {  	s10 =	sld [smem:$0x3FB9];
	_ =	sdelay $0x3  }
0x33: {  	p0 =	seq.s32 s10, $0x1;
	s10 =	sld [smem:$0x3FBB];
	_ =	sdelay $0x3  }
0x34: {  	[smem:$0x3FBB] =	sst s10  }
0x35: {  	s10 =	sld [smem:$0x3FBA];
	_ =	sdelay $0x3  }
0x36: {  	p1 =	seq.s32 s10, $0x1;
	s10 =	sld [smem:$0x3FBB];
	_ =	sdelay $0x3  }
0x37: {  	[smem:$0x3FBB] =	sst s10  }
0x38: {  	s10 =	sld [smem:$0x3FBC]  }
0x39: {  	_ = 	snop;
	(pc) =	sbr.ind lr, $3  }
0x3a: {  	_ = 	snop  }
0x3b: {  	_ = 	snop  }
0x3c: {  	p2 =	seq.s32 s10, $0x1;
	s10 =	sld [smem:$0x3FBB]  }
0x3d: {  	_ =	shalt  }
0x3e: {  	_ =	shalt  }
0x3f: {  	_ =	shalt  }
0x40: {  	_ =	shalt  }
0x41: {  	_ =	shalt  }
0x42: {  	_ =	shalt  }
0x43: {  	_ =	shalt  }
0x44: {  	_ =	shalt  }
0x45: {  	_ =	shalt  }
0x46: {  	_ =	shalt  }
0x47: {  	_ =	shalt  }
0x48: {  	_ =	shalt  }
0x49: {  	_ =	shalt  }
0x4a: {  	_ =	shalt  }
0x4b: {  	_ =	shalt  }
0x4c: {  	_ =	shalt  }
0x4d: {  	_ =	shalt  }
0x4e: {  	_ =	shalt  }
0x4f: {  	_ =	shalt  }
0x50: {  	_ =	shalt  }
0x51: {  	_ =	shalt  }
0x52: {  	_ =	shalt  }
0x53: {  	_ =	shalt  }
0x54: {  	_ =	shalt  }
0x55: {  	_ =	shalt  }
0x56: {  	_ =	shalt  }
0x57: {  	_ =	shalt  }
0x58: {  	_ =	shalt  }
0x59: {  	_ =	shalt  }
0x5a: {  	_ =	shalt  }
0x5b: {  	_ =	shalt  }
0x5c: {  	_ =	shalt  }
0x5d: {  	_ =	shalt  }
0x5e: {  	_ =	shalt  }
0x5f: {  	_ =	shalt  }
0x60: {  	_ =	shalt  }
0x61: {  	_ =	shalt  }
0x62: {  	_ =	shalt  }
0x63: {  	_ =	shalt  }
0x64: {  	_ =	shalt  }
0x65: {  	_ =	shalt  }
0x66: {  	_ =	shalt  }
0x67: {  	_ =	shalt  }
0x68: {  	_ =	shalt  }
0x69: {  	_ =	shalt  }
0x6a: {  	_ =	shalt  }
0x6b: {  	_ =	shalt  }
0x6c: {  	_ =	shalt  }
0x6d: {  	_ =	shalt  }
0x6e: {  	_ =	shalt  }
0x6f: {  	_ =	shalt  }
0x70: {  	_ =	shalt  }
0x71: {  	_ =	shalt  }
0x72: {  	_ =	shalt  }
0x73: {  	_ =	shalt  }
0x74: {  	_ =	shalt  }
0x75: {  	_ =	shalt  }
0x76: {  	_ =	shalt  }
0x77: {  	_ =	shalt  }
0x78: {  	_ =	shalt  }
0x79: {  	_ =	shalt  }
0x7a: {  	_ =	shalt  }
0x7b: {  	_ =	shalt  }
0x7c: {  	_ =	shalt  }
0x7d: {  	_ =	shalt  }
0x7e: {  	_ =	shalt  }
0x7f: {  	_ =	shalt  }
0x80: {  	_ =	shalt  }
0x81: {  	_ =	shalt  }
0x82: {  	_ =	shalt  }
0x83: {  	_ =	shalt  }
0x84: {  	_ =	shalt  }
0x85: {  	_ =	shalt  }
0x86: {  	_ =	shalt  }
0x87: {  	_ =	shalt  }
.Lfunc_end0:
.L_simem_size_0:
called_computation_lowered:
.L_overlay_start_0:
0x88: {  	s0 =	sld [smem:$0x3FD9]  }
0x89: {  	s1 =	sld [smem:$0x3FFE];
	_ =	sdelay $0x3  }
0x8a: {  	s0 =	sadd.s32 s1, s0  }
0x8b: {  	[smem:$0x3FC7] =	sst s0  }
0x8c: {  	_ = 	snop  }
0x8d: {  	s0 =	sld [smem:$0x3FD0];
	_ =	sdelay $0x2  }
0x8e: {  	s2 =	simm.s32 $0xA;
	s3 =	simm.s32 $0x10;
	s14 =	sld [smem:$0x3FC9]  }
0x8f: {  	[smem:s3], [sflag:s2] =	dma.local [hbm:s0], $0x1  }
0x90: {  	_ =	swait.eq [sflag:s2], $0x1  }
0x91: {  	[sflag:s2] =	ssyncset.done $0x0  }
0x92: {  	s15 =	sld [smem:$0x10];
	[sflag:s2] =	ssyncadd.s32 $0xFFFFFFFF  }
0x93: {  	s16 =	sld [smem:$0x11];
	(tm) =	ssettm $0x1  }
0x94: {  	s17 =	sld [smem:$0x3FFB];
	_ =	sdelay $0x3  }
0x95: {  	_ =	strace s17  }
0x96: {  	s3 =	sld [smem:$0x3FFC];
	_ =	sdelay $0x3  }
0x97: {  	_ =	strace s3  }
0x98: {  	s3 =	sld [smem:$0x3FFD];
	_ =	sdelay $0x3  }
0x99: {  	_ =	strace s3  }
0x9a: {  	_ =	strace $0x8FFFFFFF  }
0x9b: {  	s18 =	sld [smem:$0x3FDB];
	_ =	sdelay $0x1  }
0x9c: {  	s4 =	simm.s32 $_scs_section_size  }
0x9d: {  	s5 =	simm.s32 $_size__tile_overlayer_lowered;
	s6 =	simm.s32 $_tile_overlayer_lowered  }
0x9e: {  	s21 =	simm.s32 $0x1BFF;
	s20 =	sshll.u32 s6, $0x1;
	s3 =	sadd.s32 s4, s18  }
0x9f: {  	s7 =	simm.s32 $0x0;
	s19 =	sshll.u32 s5, $0x1;
	s5 =	sadd.s32 s20, s3  }
0xa0: {  	[timem:s7], [sflag:s21] =	dma.local [hbm:s5], s19  }
0xa1: {  	_ =	swait.ge [sflag:s21], s19  }
0xa2: {  	s4 =	ssub.s32 $0x0, s19;
	[sflag:s21] =	ssyncset.done $0x0  }
0xa3: {  	[sflag:s21] =	ssyncadd.s32 s4;
	_ =	sdelay $0x1  }
0xa4: {  	s22 =	simm.s32 $0x1B8B  }
0xa5: {  	_ =	swait.ge [sflag:s22], $0x1  }
0xa6: {  	[sflag:s22] =	ssyncset.done $0x0  }
0xa7: {  	s23 =	simm.s32 $0x1B8E;
	[sflag:s22] =	ssyncadd.s32 $0xFFFFFFFF  }
0xa8: {  	s24 =	simm.s32 $execute0_lowered;
	[smem:$0x3FD2] =	sst s23  }
0xa9: {  	s4 =	sshll.u32 s24, $0x1;
	_ =	strace $0x80000046;
	[dreg:$0x1] =	wrdreg $0xFFFFFFFF  }
0xaa: {  	s25 =	simm.s32 $_size_execute0_lowered;
	s3 =	sadd.s32 s3, s4;
	[dreg:$0x0] =	wrdreg $0x0  }
0xab: {  	s4 =	sshll.u32 s25, $0x1;
	[dreg:$0x2] =	wrdreg s3  }
0xac: {  	[dreg:$0x3] =	wrdreg s4  }
0xad: {  	[dreg:$0x4] =	wrdreg $0xC0  }
0xae: {  	_ =	task [dreg:s7], $0x5FFFF  }
0xaf: {  	[dreg:$0x1] =	wrdreg $0xFFFFFFFF  }
0xb0: {  	[dreg:$0x0] =	wrdreg $0x60  }
0xb1: {  	[dreg:$0x2] =	wrdreg s14  }
0xb2: {  	[dreg:$0x3] =	wrdreg s15  }
0xb3: {  	[dreg:$0x4] =	wrdreg s16  }
0xb4: {  	[dreg:$0x5] =	wrdreg $0x9  }
0xb5: {  	_ =	task.clear_ibuf [dreg:s7], $0x6FFFF;
	_ =	strace $0x90000046  }
0xb6: {  	s26 =	simm.s32 $0x9;
	_ =	strace $0x80000048  }
0xb7: {  	_ =	swait.ge [sflag:s26], $0x1  }
0xb8: {  	[sflag:s26] =	ssyncadd.s32 $0xFFFFFFFF  }
0xb9: {  	_ =	strace $0x90000048  }
0xba: {  	_ =	sfence  }
0xbb: {  	s28 =	sld [smem:$0x0];
	_ =	sdelay $0x1  }
0xbc: {  	s29 =	srdreg.scid  }
0xbd: {  	s30 =	sshll.u32 s29, $0xD;
	s31 =	sshrl.u32 s29, $0x2  }
0xbe: {  	s1 =	sand.u32 $0x1, s29;
	s2 =	sand.u32 $0x4000, s30;
	s0 =	sadd.s32 s31, s28  }
0xbf: {  	s1 =	sor.u32 s2, s1;
	s0 =	sshll.u32 s0, $0x11  }
0xc0: {  	s0 =	sor.u32 s0, s1  }
0xc1: {  	s0 =	sadd.s32 $0x8F2B, s0  }
0xc2: {  	[sflag:s0] =	ssyncadd.remote.s32 $0x1  }
0xc3: {  	_ =	sfence.sel $0xFFFF  }
0xc4: {  	[dreg:$0x0] =	wrdreg $0xFFFFFFFF;
	(pc) =	sbr.abs _section_cstart, $3  }
0xc5: {  	[dreg:$0x1] =	wrdreg $0xFFFFFFFF  }
0xc6: {  	_ =	task.clear_ibuf [dreg:s7], $0x2FFFF;
	_ =	strace $0x9FFFFFFF  }
0xc7: {  	(tm) =	ssettm $0x7FFFFFFF  }
tec
execute0_lowered:
.L_overlay_start_1:
0x0: {  	(tag) =	ssettag $0x1  }
0x1: {  	s0 =	rddreg [dreg:$0x0]  }
0x2: {  	s1 =	rddreg [dreg:$0x1];
	s3 =	stileid.u32  }
0x3: {  	s2 =	rddreg [dreg:$0x2];
	p0 =	sne.s32 s3, $0x0  }
0x4: {  	s4 =	rddreg [dreg:$0x3];
	_ =	strace $0x80000047;
	s3 =	simm.s32 @!p0 $0x0  }
0x5: {  	v0 =	vimm.f32 @!p0 $1.000000000e+00;
	[tilespmem:s3], [sflag:$0x1] =	stream.linear.gather @!p0 [hbm4b:s0+s3], $0x3, $0x38;
	[tilespmem:$0x100] =	vst v63  }
0x6: {  	s0 =	simm.s32 @!p0 $0x80;
	[tilespmem:$0x80] =	vst @!p0 v0  }
0x7: {  	[hbm4b:s2+s3] =	stream.linear.scatter @!p0 [tilespmem:s0], [sflag:$0x2], $0x7, $0x38;
	[tilespmem:$0x100] =	vst v63  }
0x8: {  	s0 =	simm.s32 @!p0 $0x1  }
0x9: {  	_ =	swait.ge @!p0 [sflag:s0], $0x3  }
0xa: {  	[sflag:s0] =	ssyncset.done @!p0 $0x0  }
0xb: {  	[sflag:s0] =	ssyncadd.s32 @!p0 $0xFFFFFFFD  }
0xc: {  	v0 =	vld @!p0 [tilespmem:$0x0];
	_ =	sdelay $0x4  }
0xd: {  	(v2sf) =	vpush @!p0 v0, $0x0  }
0xe: {  	(v2sf) =	vpush @!p0 v0, $0x1  }
0xf: {  	(v2sf) =	vpush @!p0 v0, $0x2;
	_ =	sdelay $0xc  }
0x10: {  	s2 =	spop @!p0 (v2sf)  }
0x11: {  	s5 =	spop @!p0 (v2sf)  }
0x12: {  	s6 =	spop @!p0 (v2sf)  }
0x13: {  	p1 =	sge.f32 @!p0 s5, s6;
	_ =	sdelay $0x1  }
0x14: {  	p2 =	sge.f32 @!p0 s2, s6;
	p1 =	por !p1, p0  }
0x15: {  	p3 =	sge.f32 @!p0 s2, s5;
	s0 =	simm.s32 @p1 $0x2  }
0x16: {  	p1 =	por !p2, p0;
	s2 =	smov.u32 s0  }
0x17: {  	s2 =	simm.s32 @!p1 $0x0;
	p1 =	por !p3, p0  }
0x18: {  	s2 =	smov.u32 @p1 s0  }
0x19: {  	v1 =	vlaneseq.u32 @!p0;
	v0 =	vmov @!p0 s2  }
0x1a: {  	vm0 =	veq.s32 @!p0 v0, v1;
	v0 =	vimm.f32 @!p0 $1.000000010e-01  }
0x1b: {  	v0 =	vsel @!p0 vm0, $0x3F800000, v0  }
0x1c: {  	s0 =	simm.s32 @!p0 $0x3;
	[tilespmem:$0x0] =	vst @!p0 v0  }
0x1d: {  	[hbm4b:s1+s3] =	stream.linear.scatter @!p0 [tilespmem:s3], [sflag:$0x3], $0x3, $0x38;
	[tilespmem:$0x100] =	vst v63  }
0x1e: {  	_ =	swait.ge @!p0 [sflag:s0], $0x3  }
0x1f: {  	[sflag:s0] =	ssyncset.done @!p0 $0x0  }
0x20: {  	[sflag:s0] =	ssyncadd.s32 @!p0 $0xFFFFFFFD;
	s0 =	simm.s32 @!p0 $0x2  }
0x21: {  	_ =	swait.ge @!p0 [sflag:s0], $0x7  }
0x22: {  	[sflag:s0] =	ssyncset.done @!p0 $0x0  }
0x23: {  	[sflag:s0] =	ssyncadd.s32 @!p0 $0xFFFFFFF9  }
0x24: {  	_ =	sfence.sel $0x180000  }
0x25: {  	[bflag:$0x0] =	sbarrier.arrive $0xFFFF  }
0x26: {  	_ =	strace $0x90000047  }
0x27: {  	s0 =	sadd.s32 @!p0 $0x100000, s4;
	[bflag:$0x2] =	sbarrier.arrive $0xFFFF  }
0x28: {  	[sflag:s0] =	ssyncadd.tile.s32 @!p0 $0x1;
	_ =	shalt  }
.Lfunc_end2:
_tile_overlayer_lowered:
.L_overlay_start_2:
0x29: {  	(tag) =	ssettag $0x2  }
0x2a: {  	s0 =	rddreg [dreg:$0x0];
	s2 =	stileid.u32  }
0x2b: {  	s1 =	rddreg [dreg:$0x1];
	p0 =	sne.s32 s2, $0x0  }
0x2c: {  	s3 =	rddreg [dreg:$0x2];
	[bflag:$0x3] =	sbarrier.arrive $0xFFFF;
	s2 =	simm.s32 @!p0 $0x1C03  }
0x2d: {  	[timem:s3], [sflag:s2] =	dma.local @!p0 [hbm:s0], s1  }
0x2e: {  	s0 =	simm.s32 @!p0 $0x3  }
0x2f: {  	_ =	swait.ge @!p0 [sflag:s0], s1  }
0x30: {  	s1 =	ssub.s32 @!p0 $0x0, s1;
	[sflag:s0] =	ssyncset.done @!p0 $0x0  }
0x31: {  	[sflag:s0] =	ssyncadd.s32 @!p0 s1  }
0x32: {  	[bflag:$0x3] =	sbarrier.arrive $0xFFFF  }
0x33: {  	_ =	shalt  }

</sc_bundles>
